<compile_context>
chip_gen: v7x
topology: tpu7x:2x2x1
jax: 0.10.2.dev20260603
libtpu: 0.0.44.dev20260713+nightly
codegen_flags: <defaults>
</compile_context>

<pallas_src>
import functools

import jax
import jax.numpy as jnp
from jax import lax
from jax.experimental import pallas as pl
from jax.experimental.pallas import tpu as pltpu
from jax.experimental.pallas import tpu_sc as plsc

N_NODES = 10000
N_EDGES = 320000
D_FEAT = 128
SCALE = float(32.0 ** -0.5)

NC = 2
NS = 16
NW = NC * NS
CH = 128
NCHUNKS = N_EDGES // CH
CPT = NCHUNKS // NW
NEXTRA = NCHUNKS - CPT * NW
N_PAD = 10112
STRIPE = N_PAD // NS


def _sc_scatter_partials(edge_features, edge_index, zeros):
    mesh = plsc.VectorSubcoreMesh(core_axis_name="c", subcore_axis_name="s")

    @functools.partial(
        pl.kernel,
        out_type=jax.ShapeDtypeStruct((NC, N_PAD, D_FEAT), jnp.float32),
        mesh=mesh,
        scratch_types=[
            pltpu.VMEM((CH,), jnp.int32),
            pltpu.VMEM((CH,), jnp.int32),
            pltpu.VMEM((CH,), jnp.int32),
            pltpu.VMEM((CH, D_FEAT), jnp.float32),
            pltpu.VMEM((CH, D_FEAT), jnp.float32),
            pltpu.VMEM((CH, D_FEAT), jnp.float32),
            pltpu.VMEM_SHARED((N_PAD, D_FEAT), jnp.float32),
            pltpu.SemaphoreType.DMA,
            pltpu.SemaphoreType.DMA,
            pltpu.SemaphoreType.DMA,
            pltpu.SemaphoreType.DMA,
            pltpu.SemaphoreType.DMA,
            pltpu.SemaphoreType.DMA,
        ],
    )
    def k(ef_hbm, ei_hbm, zeros_hbm, out_hbm, ir0, ir1, ir2, b0, b1, b2, acc,
          isem0, isem1, isem2, rsem0, rsem1, rsem2):
        c = lax.axis_index("c")
        s = lax.axis_index("s")
        wid = s * NC + c
        r0 = s * STRIPE
        cbase = wid * CPT
        xcid = NW * CPT + wid
        irs, bufs = (ir0, ir1, ir2), (b0, b1, b2)
        isems, rsems = (isem0, isem1, isem2), (rsem0, rsem1, rsem2)

        def idx_slice(cid):
            return ei_hbm.at[0, pl.ds(cid * CH, CH)]

        def edge_slice(cid):
            return ef_hbm.at[pl.ds(cid * CH, CH)]

        for h in range(3):
            pltpu.async_copy(idx_slice(cbase + h), irs[h], isems[h])
            pltpu.async_copy(edge_slice(cbase + h), bufs[h], rsems[h])
        pltpu.sync_copy(zeros_hbm, acc.at[pl.ds(r0, STRIPE)])
        plsc.subcore_barrier()

        def body(p, carry):
            for h in range(3):
                j = 3 * p + h
                cid = cbase + j
                ir, buf = irs[h], bufs[h]
                pltpu.make_async_copy(idx_slice(cid), ir, isems[h]).wait()
                pltpu.make_async_copy(edge_slice(cid), buf, rsems[h]).wait()
                pltpu.sync_copy(buf, acc.at[ir], add=True)
                @pl.when(j + 3 < CPT)
                def _():
                    pltpu.async_copy(idx_slice(cid + 3), ir, isems[h])
                    pltpu.async_copy(edge_slice(cid + 3), buf, rsems[h])
                @pl.when(jnp.logical_and(j + 3 == CPT, wid < NEXTRA))
                def _():
                    pltpu.async_copy(idx_slice(xcid), ir, isems[h])
                    pltpu.async_copy(edge_slice(xcid), buf, rsems[h])
            return carry

        lax.fori_loop(0, CPT // 3, body, 0)

        @pl.when(wid < NEXTRA)
        def _():
            pltpu.make_async_copy(idx_slice(xcid), ir0, isem0).wait()
            pltpu.make_async_copy(edge_slice(xcid), b0, rsem0).wait()
            pltpu.sync_copy(b0, acc.at[ir0], add=True)

        plsc.subcore_barrier()
        pltpu.sync_copy(acc.at[pl.ds(r0, STRIPE)],
                        out_hbm.at[c, pl.ds(r0, STRIPE)])

    return k(edge_features, edge_index, zeros)


def _tc_combine(partials):
    def body(p_ref, o_ref):
        o_ref[...] = (p_ref[0] + p_ref[1]) * SCALE

    return pl.pallas_call(
        body,
        out_shape=jax.ShapeDtypeStruct((N_NODES, D_FEAT), jnp.float32),
        grid=(2,),
        in_specs=[pl.BlockSpec((2, 5000, D_FEAT), lambda i: (0, i, 0))],
        out_specs=pl.BlockSpec((5000, D_FEAT), lambda i: (i, 0)),
    )(partials)


def kernel(edge_features, edge_index, pos):
    zeros = jnp.zeros((STRIPE, D_FEAT), jnp.float32)
    partials = _sc_scatter_partials(edge_features, edge_index, zeros)
    return _tc_combine(partials)

# --- scband reference (transcript-rebuilt; emitter-appended) ---
"""Pipeline reference for scband-edgewise-reduce-90108413870656 (READ-ONLY COPY).

The authoritative reference and input builder live on the scoring server;
editing this copy changes nothing except your own understanding.
"""

import jax, jax.numpy as jnp
import numpy as np

N_NODES = 10000
N_EDGES = 320000
D_FEAT = 128
AVG_NUM_NEIGHBORS = 32.0


def setup_inputs(seed: int = 0) -> dict:
    key = jax.random.key(seed)
    k1, k2, k3 = jax.random.split(key, 3)
    edge_features = jax.random.normal(k1, (N_EDGES, D_FEAT), dtype=jnp.float32)
    edge_index = jax.random.randint(k2, (2, N_EDGES), 0, N_NODES, dtype=jnp.int32)
    pos = jax.random.normal(k3, (N_NODES, 3), dtype=jnp.float32)
    return {"edge_features": edge_features, "edge_index": edge_index, "pos": pos}


def reference(edge_features, edge_index, pos):
    # EdgewiseReduce forward, non-attention path:
    #   edge_center = edge_index[0]
    #   out = scatter_sum(edge_feat, edge_center, dim=0, dim_size=num_nodes)
    #   out = out * rsqrt(avg_num_neighbors)
    edge_center = edge_index[0]
    num_nodes = pos.shape[0]
    out = jax.ops.segment_sum(edge_features, edge_center, num_segments=num_nodes)
    env_sum_normalization = jnp.asarray([AVG_NUM_NEIGHBORS], dtype=jnp.float32) ** -0.5
    out = out * env_sum_normalization
    return out

if __name__ == "__main__":
    import jax
    _d = setup_inputs()
    print(jax.jit(kernel)(*tuple(_d.values())))

</pallas_src>

<mosaic_0001>
#map = affine_map<(d0, d1) -> (0, 0)>
#map1 = affine_map<(d0, d1) -> (0, 0, 0)>
module attributes {stable_mosaic.version = 14 : i64} {
  func.func @k(%arg0: i32, %arg1: i32, %arg2: memref<320000x128xf32, #tpu.memory_space<hbm>>, %arg3: memref<2x320000xi32, #tpu.memory_space<hbm>>, %arg4: memref<632x128xf32, #tpu.memory_space<hbm>>, %arg5: memref<2x10112x128xf32, #tpu.memory_space<hbm>>, %arg6: memref<128xi32, #tpu.memory_space<vmem>>, %arg7: memref<128xi32, #tpu.memory_space<vmem>>, %arg8: memref<128xi32, #tpu.memory_space<vmem>>, %arg9: memref<128x128xf32, #tpu.memory_space<vmem>>, %arg10: memref<128x128xf32, #tpu.memory_space<vmem>>, %arg11: memref<128x128xf32, #tpu.memory_space<vmem>>, %arg12: memref<10112x128xf32, #tpu.memory_space<vmem_shared>>, %arg13: memref<!tpu.dma_semaphore, #tpu.memory_space<semaphore_mem>>, %arg14: memref<!tpu.dma_semaphore, #tpu.memory_space<semaphore_mem>>, %arg15: memref<!tpu.dma_semaphore, #tpu.memory_space<semaphore_mem>>, %arg16: memref<!tpu.dma_semaphore, #tpu.memory_space<semaphore_mem>>, %arg17: memref<!tpu.dma_semaphore, #tpu.memory_space<semaphore_mem>>, %arg18: memref<!tpu.dma_semaphore, #tpu.memory_space<semaphore_mem>>) attributes {dimension_semantics = [#tpu.dimension_semantics<core_parallel>, #tpu.dimension_semantics<subcore_parallel>], iteration_bounds = array<i64: 2, 16>, scalar_prefetch = 0 : i64, scratch_operands = 13 : i64, tpu.core_type = #tpu.core_type<sc_vector_subcore>, window_params = [{transform_indices = #map}, {transform_indices = #map}, {transform_indices = #map}, {transform_indices = #map1}]} {
    %mul3A = arith.constant 2 : i32
    %mul3A_0 = arith.muli %arg1, %mul3A : i32
    %add3A = arith.addi %mul3A_0, %arg0 : i32
    %mul3A_1 = arith.constant 632 : i32
    %mul3A_2 = arith.muli %arg1, %mul3A_1 : i32
    %mul3A_3 = arith.constant 78 : i32
    %mul3A_4 = arith.muli %add3A, %mul3A_3 : i32
    %add3A_5 = arith.constant 2496 : i32
    %add3A_6 = arith.addi %add3A_5, %add3A : i32
    %add3A_7 = arith.constant 0 : i32
    %add3A_8 = arith.addi %mul3A_4, %add3A_7 : i32
    %mul3A_9 = arith.constant 128 : i32
    %mul3A_10 = arith.muli %add3A_8, %mul3A_9 : i32
    %dma_start3A = arith.constant 0 : i32
    %dma_start3A_11 = tpu.memref_slice %arg3[%dma_start3A, %mul3A_10] : memref<2x320000xi32, #tpu.memory_space<hbm>> -> memref<1x128xi32, #tpu.memory_space<hbm>>
    %dma_start3A_12 = tpu.memref_squeeze %dma_start3A_11 : memref<1x128xi32, #tpu.memory_space<hbm>> -> memref<128xi32, #tpu.memory_space<hbm>>
    %dma_start3A_13 = tpu.memref_slice %arg3[%dma_start3A, %mul3A_10] : memref<2x320000xi32, #tpu.memory_space<hbm>> -> memref<1x128xi32, #tpu.memory_space<hbm>>
    %dma_start3A_14 = tpu.memref_squeeze %dma_start3A_13 : memref<1x128xi32, #tpu.memory_space<hbm>> -> memref<128xi32, #tpu.memory_space<hbm>>
    tpu.enqueue_dma source(%dma_start3A_14 : memref<128xi32, #tpu.memory_space<hbm>>) target(%arg6 : memref<128xi32, #tpu.memory_space<vmem>>) target_semaphore(%arg13 : memref<!tpu.dma_semaphore, #tpu.memory_space<semaphore_mem>>)
    %add3A_15 = arith.constant 0 : i32
    %add3A_16 = arith.addi %mul3A_4, %add3A_15 : i32
    %mul3A_17 = arith.constant 128 : i32
    %mul3A_18 = arith.muli %add3A_16, %mul3A_17 : i32
    %dma_start3A_19 = arith.constant 0 : i32
    %dma_start3A_20 = tpu.memref_slice %arg2[%mul3A_18, %dma_start3A_19] : memref<320000x128xf32, #tpu.memory_space<hbm>> -> memref<128x128xf32, #tpu.memory_space<hbm>>
    %dma_start3A_21 = arith.constant 0 : i32
    %dma_start3A_22 = tpu.memref_slice %arg2[%mul3A_18, %dma_start3A_21] : memref<320000x128xf32, #tpu.memory_space<hbm>> -> memref<128x128xf32, #tpu.memory_space<hbm>>
    tpu.enqueue_dma source(%dma_start3A_22 : memref<128x128xf32, #tpu.memory_space<hbm>>) target(%arg9 : memref<128x128xf32, #tpu.memory_space<vmem>>) target_semaphore(%arg16 : memref<!tpu.dma_semaphore, #tpu.memory_space<semaphore_mem>>)
    %add3A_23 = arith.constant 1 : i32
    %add3A_24 = arith.addi %mul3A_4, %add3A_23 : i32
    %mul3A_25 = arith.constant 128 : i32
    %mul3A_26 = arith.muli %add3A_24, %mul3A_25 : i32
    %dma_start3A_27 = arith.constant 0 : i32
    %dma_start3A_28 = tpu.memref_slice %arg3[%dma_start3A_27, %mul3A_26] : memref<2x320000xi32, #tpu.memory_space<hbm>> -> memref<1x128xi32, #tpu.memory_space<hbm>>
    %dma_start3A_29 = tpu.memref_squeeze %dma_start3A_28 : memref<1x128xi32, #tpu.memory_space<hbm>> -> memref<128xi32, #tpu.memory_space<hbm>>
    %dma_start3A_30 = tpu.memref_slice %arg3[%dma_start3A_27, %mul3A_26] : memref<2x320000xi32, #tpu.memory_space<hbm>> -> memref<1x128xi32, #tpu.memory_space<hbm>>
    %dma_start3A_31 = tpu.memref_squeeze %dma_start3A_30 : memref<1x128xi32, #tpu.memory_space<hbm>> -> memref<128xi32, #tpu.memory_space<hbm>>
    tpu.enqueue_dma source(%dma_start3A_31 : memref<128xi32, #tpu.memory_space<hbm>>) target(%arg7 : memref<128xi32, #tpu.memory_space<vmem>>) target_semaphore(%arg14 : memref<!tpu.dma_semaphore, #tpu.memory_space<semaphore_mem>>)
    %add3A_32 = arith.constant 1 : i32
    %add3A_33 = arith.addi %mul3A_4, %add3A_32 : i32
    %mul3A_34 = arith.constant 128 : i32
    %mul3A_35 = arith.muli %add3A_33, %mul3A_34 : i32
    %dma_start3A_36 = arith.constant 0 : i32
    %dma_start3A_37 = tpu.memref_slice %arg2[%mul3A_35, %dma_start3A_36] : memref<320000x128xf32, #tpu.memory_space<hbm>> -> memref<128x128xf32, #tpu.memory_space<hbm>>
    %dma_start3A_38 = arith.constant 0 : i32
    %dma_start3A_39 = tpu.memref_slice %arg2[%mul3A_35, %dma_start3A_38] : memref<320000x128xf32, #tpu.memory_space<hbm>> -> memref<128x128xf32, #tpu.memory_space<hbm>>
    tpu.enqueue_dma source(%dma_start3A_39 : memref<128x128xf32, #tpu.memory_space<hbm>>) target(%arg10 : memref<128x128xf32, #tpu.memory_space<vmem>>) target_semaphore(%arg17 : memref<!tpu.dma_semaphore, #tpu.memory_space<semaphore_mem>>)
    %add3A_40 = arith.constant 2 : i32
    %add3A_41 = arith.addi %mul3A_4, %add3A_40 : i32
    %mul3A_42 = arith.constant 128 : i32
    %mul3A_43 = arith.muli %add3A_41, %mul3A_42 : i32
    %dma_start3A_44 = arith.constant 0 : i32
    %dma_start3A_45 = tpu.memref_slice %arg3[%dma_start3A_44, %mul3A_43] : memref<2x320000xi32, #tpu.memory_space<hbm>> -> memref<1x128xi32, #tpu.memory_space<hbm>>
    %dma_start3A_46 = tpu.memref_squeeze %dma_start3A_45 : memref<1x128xi32, #tpu.memory_space<hbm>> -> memref<128xi32, #tpu.memory_space<hbm>>
    %dma_start3A_47 = tpu.memref_slice %arg3[%dma_start3A_44, %mul3A_43] : memref<2x320000xi32, #tpu.memory_space<hbm>> -> memref<1x128xi32, #tpu.memory_space<hbm>>
    %dma_start3A_48 = tpu.memref_squeeze %dma_start3A_47 : memref<1x128xi32, #tpu.memory_space<hbm>> -> memref<128xi32, #tpu.memory_space<hbm>>
    tpu.enqueue_dma source(%dma_start3A_48 : memref<128xi32, #tpu.memory_space<hbm>>) target(%arg8 : memref<128xi32, #tpu.memory_space<vmem>>) target_semaphore(%arg15 : memref<!tpu.dma_semaphore, #tpu.memory_space<semaphore_mem>>)
    %add3A_49 = arith.constant 2 : i32
    %add3A_50 = arith.addi %mul3A_4, %add3A_49 : i32
    %mul3A_51 = arith.constant 128 : i32
    %mul3A_52 = arith.muli %add3A_50, %mul3A_51 : i32
    %dma_start3A_53 = arith.constant 0 : i32
    %dma_start3A_54 = tpu.memref_slice %arg2[%mul3A_52, %dma_start3A_53] : memref<320000x128xf32, #tpu.memory_space<hbm>> -> memref<128x128xf32, #tpu.memory_space<hbm>>
    %dma_start3A_55 = arith.constant 0 : i32
    %dma_start3A_56 = tpu.memref_slice %arg2[%mul3A_52, %dma_start3A_55] : memref<320000x128xf32, #tpu.memory_space<hbm>> -> memref<128x128xf32, #tpu.memory_space<hbm>>
    tpu.enqueue_dma source(%dma_start3A_56 : memref<128x128xf32, #tpu.memory_space<hbm>>) target(%arg11 : memref<128x128xf32, #tpu.memory_space<vmem>>) target_semaphore(%arg18 : memref<!tpu.dma_semaphore, #tpu.memory_space<semaphore_mem>>)
    "tpu.region"() ({
      %run_scoped3A = tpu.sem_alloc : memref<!tpu.dma_semaphore, #tpu.memory_space<semaphore_mem>>
      %dma_start3A_65 = arith.constant 0 : i32
      %dma_start3A_66 = tpu.memref_slice %arg12[%mul3A_2, %dma_start3A_65] : memref<10112x128xf32, #tpu.memory_space<vmem_shared>> -> memref<632x128xf32, #tpu.memory_space<vmem_shared>>
      tpu.enqueue_dma source(%arg4 : memref<632x128xf32, #tpu.memory_space<hbm>>) target(%dma_start3A_66 : memref<632x128xf32, #tpu.memory_space<vmem_shared>>) target_semaphore(%run_scoped3A : memref<!tpu.dma_semaphore, #tpu.memory_space<semaphore_mem>>)
      %dma_wait3A = arith.constant 0 : i32
      %dma_wait3A_67 = tpu.memref_slice %arg12[%mul3A_2, %dma_wait3A] : memref<10112x128xf32, #tpu.memory_space<vmem_shared>> -> memref<632x128xf32, #tpu.memory_space<vmem_shared>>
      tpu.wait_dma2 semaphore(%run_scoped3A : memref<!tpu.dma_semaphore, #tpu.memory_space<semaphore_mem>>) src(%arg4 : memref<632x128xf32, #tpu.memory_space<hbm>>) dst(%dma_wait3A_67 : memref<632x128xf32, #tpu.memory_space<vmem_shared>>)
      tpu.yield
    }) : () -> ()
    %barrier3A = arith.constant 0 : index
    tpu.barrier barrier_id(%barrier3A)
    %scan3A = arith.constant 0 : i32
    %scan3A_57 = arith.constant 0 : i32
    %scan3A_58 = arith.constant 26 : i32
    %scan3A_59 = arith.addi %scan3A_57, %scan3A_58 : i32
    %scan3A_60 = arith.constant 1 : i32
    scf.for %scan3A_65 = %scan3A_57 to %scan3A_59 step %scan3A_60  : i32 {
      %mul3A_66 = arith.constant 3 : i32
      %mul3A_67 = arith.muli %mul3A_66, %scan3A_65 : i32
      %add3A_68 = arith.constant 0 : i32
      %add3A_69 = arith.addi %mul3A_67, %add3A_68 : i32
      %add3A_70 = arith.addi %mul3A_4, %add3A_69 : i32
      %mul3A_71 = arith.constant 128 : i32
      %mul3A_72 = arith.muli %add3A_70, %mul3A_71 : i32
      %dma_wait3A = arith.constant 0 : i32
      %dma_wait3A_73 = tpu.memref_slice %arg3[%dma_wait3A, %mul3A_72] : memref<2x320000xi32, #tpu.memory_space<hbm>> -> memref<1x128xi32, #tpu.memory_space<hbm>>
      %dma_wait3A_74 = tpu.memref_squeeze %dma_wait3A_73 : memref<1x128xi32, #tpu.memory_space<hbm>> -> memref<128xi32, #tpu.memory_space<hbm>>
      %dma_wait3A_75 = tpu.memref_slice %arg3[%dma_wait3A, %mul3A_72] : memref<2x320000xi32, #tpu.memory_space<hbm>> -> memref<1x128xi32, #tpu.memory_space<hbm>>
      %dma_wait3A_76 = tpu.memref_squeeze %dma_wait3A_75 : memref<1x128xi32, #tpu.memory_space<hbm>> -> memref<128xi32, #tpu.memory_space<hbm>>
      tpu.wait_dma2 semaphore(%arg13 : memref<!tpu.dma_semaphore, #tpu.memory_space<semaphore_mem>>) src(%dma_wait3A_76 : memref<128xi32, #tpu.memory_space<hbm>>) dst(%arg6 : memref<128xi32, #tpu.memory_space<vmem>>)
      %mul3A_77 = arith.constant 128 : i32
      %mul3A_78 = arith.muli %add3A_70, %mul3A_77 : i32
      %dma_wait3A_79 = arith.constant 0 : i32
      %dma_wait3A_80 = tpu.memref_slice %arg2[%mul3A_78, %dma_wait3A_79] : memref<320000x128xf32, #tpu.memory_space<hbm>> -> memref<128x128xf32, #tpu.memory_space<hbm>>
      %dma_wait3A_81 = arith.constant 0 : i32
      %dma_wait3A_82 = tpu.memref_slice %arg2[%mul3A_78, %dma_wait3A_81] : memref<320000x128xf32, #tpu.memory_space<hbm>> -> memref<128x128xf32, #tpu.memory_space<hbm>>
      tpu.wait_dma2 semaphore(%arg16 : memref<!tpu.dma_semaphore, #tpu.memory_space<semaphore_mem>>) src(%dma_wait3A_82 : memref<128x128xf32, #tpu.memory_space<hbm>>) dst(%arg9 : memref<128x128xf32, #tpu.memory_space<vmem>>)
      "tpu.region"() ({
        %run_scoped3A = tpu.sem_alloc : memref<!tpu.dma_semaphore, #tpu.memory_space<semaphore_mem>>
        %dma_start3A_168 = arith.constant 0 : i32
        %dma_start3A_169 = arith.constant 0 : i32
        %dma_start3A_170 = tpu.memref_slice %arg12[%dma_start3A_168, %dma_start3A_169] : memref<10112x128xf32, #tpu.memory_space<vmem_shared>> -> memref<10112x128xf32, #tpu.memory_space<vmem_shared>>
        tpu.enqueue_indirect_dma source(%arg9 : memref<128x128xf32, #tpu.memory_space<vmem>>) target(%dma_start3A_170 : memref<10112x128xf32, #tpu.memory_space<vmem_shared>>) offsets(%arg6 : memref<128xi32, #tpu.memory_space<vmem>>) semaphore(%run_scoped3A : memref<!tpu.dma_semaphore, #tpu.memory_space<semaphore_mem>>) {add = true}
        %dma_wait3A_171 = arith.constant 0 : i32
        %dma_wait3A_172 = arith.constant 0 : i32
        %dma_wait3A_173 = tpu.memref_slice %arg12[%dma_wait3A_171, %dma_wait3A_172] : memref<10112x128xf32, #tpu.memory_space<vmem_shared>> -> memref<10112x128xf32, #tpu.memory_space<vmem_shared>>
        tpu.wait_indirect_dma semaphore(%run_scoped3A : memref<!tpu.dma_semaphore, #tpu.memory_space<semaphore_mem>>) src(%arg9 : memref<128x128xf32, #tpu.memory_space<vmem>>) dst(%dma_wait3A_173 : memref<10112x128xf32, #tpu.memory_space<vmem_shared>>)
        tpu.yield
      }) : () -> ()
      %add3A_83 = arith.constant 3 : i32
      %add3A_84 = arith.addi %add3A_69, %add3A_83 : i32
      %lt3A_85 = arith.constant 78 : i32
      %lt3A_86 = arith.cmpi slt, %add3A_84, %lt3A_85 : i32
      %convert_element_type3A_87 = arith.extui %lt3A_86 : i1 to i32
      %cond3A_88 = arith.constant 0 : i32
      %cond3A_89 = arith.cmpi ne, %convert_element_type3A_87, %cond3A_88 : i32
      scf.if %cond3A_89 {
        %add3A_168 = arith.constant 3 : i32
        %add3A_169 = arith.addi %add3A_70, %add3A_168 : i32
        %mul3A_170 = arith.constant 128 : i32
        %mul3A_171 = arith.muli %add3A_169, %mul3A_170 : i32
        %dma_start3A_172 = arith.constant 0 : i32
        %dma_start3A_173 = tpu.memref_slice %arg3[%dma_start3A_172, %mul3A_171] : memref<2x320000xi32, #tpu.memory_space<hbm>> -> memref<1x128xi32, #tpu.memory_space<hbm>>
        %dma_start3A_174 = tpu.memref_squeeze %dma_start3A_173 : memref<1x128xi32, #tpu.memory_space<hbm>> -> memref<128xi32, #tpu.memory_space<hbm>>
        %dma_start3A_175 = tpu.memref_slice %arg3[%dma_start3A_172, %mul3A_171] : memref<2x320000xi32, #tpu.memory_space<hbm>> -> memref<1x128xi32, #tpu.memory_space<hbm>>
        %dma_start3A_176 = tpu.memref_squeeze %dma_start3A_175 : memref<1x128xi32, #tpu.memory_space<hbm>> -> memref<128xi32, #tpu.memory_space<hbm>>
        tpu.enqueue_dma source(%dma_start3A_176 : memref<128xi32, #tpu.memory_space<hbm>>) target(%arg6 : memref<128xi32, #tpu.memory_space<vmem>>) target_semaphore(%arg13 : memref<!tpu.dma_semaphore, #tpu.memory_space<semaphore_mem>>)
        %add3A_177 = arith.constant 3 : i32
        %add3A_178 = arith.addi %add3A_70, %add3A_177 : i32
        %mul3A_179 = arith.constant 128 : i32
        %mul3A_180 = arith.muli %add3A_178, %mul3A_179 : i32
        %dma_start3A_181 = arith.constant 0 : i32
        %dma_start3A_182 = tpu.memref_slice %arg2[%mul3A_180, %dma_start3A_181] : memref<320000x128xf32, #tpu.memory_space<hbm>> -> memref<128x128xf32, #tpu.memory_space<hbm>>
        %dma_start3A_183 = arith.constant 0 : i32
        %dma_start3A_184 = tpu.memref_slice %arg2[%mul3A_180, %dma_start3A_183] : memref<320000x128xf32, #tpu.memory_space<hbm>> -> memref<128x128xf32, #tpu.memory_space<hbm>>
        tpu.enqueue_dma source(%dma_start3A_184 : memref<128x128xf32, #tpu.memory_space<hbm>>) target(%arg9 : memref<128x128xf32, #tpu.memory_space<vmem>>) target_semaphore(%arg16 : memref<!tpu.dma_semaphore, #tpu.memory_space<semaphore_mem>>)
      } else {
      }
      %add3A_90 = arith.constant 3 : i32
      %add3A_91 = arith.addi %add3A_69, %add3A_90 : i32
      %eq3A = arith.constant 78 : i32
      %eq3A_92 = arith.cmpi eq, %add3A_91, %eq3A : i32
      %lt3A_93 = arith.constant 4 : i32
      %lt3A_94 = arith.cmpi slt, %add3A, %lt3A_93 : i32
      %and3A = arith.andi %eq3A_92, %lt3A_94 : i1
      %convert_element_type3A_95 = arith.extui %and3A : i1 to i32
      %cond3A_96 = arith.constant 0 : i32
      %cond3A_97 = arith.cmpi ne, %convert_element_type3A_95, %cond3A_96 : i32
      scf.if %cond3A_97 {
        %mul3A_168 = arith.constant 128 : i32
        %mul3A_169 = arith.muli %add3A_6, %mul3A_168 : i32
        %dma_start3A_170 = arith.constant 0 : i32
        %dma_start3A_171 = tpu.memref_slice %arg3[%dma_start3A_170, %mul3A_169] : memref<2x320000xi32, #tpu.memory_space<hbm>> -> memref<1x128xi32, #tpu.memory_space<hbm>>
        %dma_start3A_172 = tpu.memref_squeeze %dma_start3A_171 : memref<1x128xi32, #tpu.memory_space<hbm>> -> memref<128xi32, #tpu.memory_space<hbm>>
        %dma_start3A_173 = tpu.memref_slice %arg3[%dma_start3A_170, %mul3A_169] : memref<2x320000xi32, #tpu.memory_space<hbm>> -> memref<1x128xi32, #tpu.memory_space<hbm>>
        %dma_start3A_174 = tpu.memref_squeeze %dma_start3A_173 : memref<1x128xi32, #tpu.memory_space<hbm>> -> memref<128xi32, #tpu.memory_space<hbm>>
        tpu.enqueue_dma source(%dma_start3A_174 : memref<128xi32, #tpu.memory_space<hbm>>) target(%arg6 : memref<128xi32, #tpu.memory_space<vmem>>) target_semaphore(%arg13 : memref<!tpu.dma_semaphore, #tpu.memory_space<semaphore_mem>>)
        %mul3A_175 = arith.constant 128 : i32
        %mul3A_176 = arith.muli %add3A_6, %mul3A_175 : i32
        %dma_start3A_177 = arith.constant 0 : i32
        %dma_start3A_178 = tpu.memref_slice %arg2[%mul3A_176, %dma_start3A_177] : memref<320000x128xf32, #tpu.memory_space<hbm>> -> memref<128x128xf32, #tpu.memory_space<hbm>>
        %dma_start3A_179 = arith.constant 0 : i32
        %dma_start3A_180 = tpu.memref_slice %arg2[%mul3A_176, %dma_start3A_179] : memref<320000x128xf32, #tpu.memory_space<hbm>> -> memref<128x128xf32, #tpu.memory_space<hbm>>
        tpu.enqueue_dma source(%dma_start3A_180 : memref<128x128xf32, #tpu.memory_space<hbm>>) target(%arg9 : memref<128x128xf32, #tpu.memory_space<vmem>>) target_semaphore(%arg16 : memref<!tpu.dma_semaphore, #tpu.memory_space<semaphore_mem>>)
      } else {
      }
      %mul3A_98 = arith.constant 3 : i32
      %mul3A_99 = arith.muli %mul3A_98, %scan3A_65 : i32
      %add3A_100 = arith.constant 1 : i32
      %add3A_101 = arith.addi %mul3A_99, %add3A_100 : i32
      %add3A_102 = arith.addi %mul3A_4, %add3A_101 : i32
      %mul3A_103 = arith.constant 128 : i32
      %mul3A_104 = arith.muli %add3A_102, %mul3A_103 : i32
      %dma_wait3A_105 = arith.constant 0 : i32
      %dma_wait3A_106 = tpu.memref_slice %arg3[%dma_wait3A_105, %mul3A_104] : memref<2x320000xi32, #tpu.memory_space<hbm>> -> memref<1x128xi32, #tpu.memory_space<hbm>>
      %dma_wait3A_107 = tpu.memref_squeeze %dma_wait3A_106 : memref<1x128xi32, #tpu.memory_space<hbm>> -> memref<128xi32, #tpu.memory_space<hbm>>
      %dma_wait3A_108 = tpu.memref_slice %arg3[%dma_wait3A_105, %mul3A_104] : memref<2x320000xi32, #tpu.memory_space<hbm>> -> memref<1x128xi32, #tpu.memory_space<hbm>>
      %dma_wait3A_109 = tpu.memref_squeeze %dma_wait3A_108 : memref<1x128xi32, #tpu.memory_space<hbm>> -> memref<128xi32, #tpu.memory_space<hbm>>
      tpu.wait_dma2 semaphore(%arg14 : memref<!tpu.dma_semaphore, #tpu.memory_space<semaphore_mem>>) src(%dma_wait3A_109 : memref<128xi32, #tpu.memory_space<hbm>>) dst(%arg7 : memref<128xi32, #tpu.memory_space<vmem>>)
      %mul3A_110 = arith.constant 128 : i32
      %mul3A_111 = arith.muli %add3A_102, %mul3A_110 : i32
      %dma_wait3A_112 = arith.constant 0 : i32
      %dma_wait3A_113 = tpu.memref_slice %arg2[%mul3A_111, %dma_wait3A_112] : memref<320000x128xf32, #tpu.memory_space<hbm>> -> memref<128x128xf32, #tpu.memory_space<hbm>>
      %dma_wait3A_114 = arith.constant 0 : i32
      %dma_wait3A_115 = tpu.memref_slice %arg2[%mul3A_111, %dma_wait3A_114] : memref<320000x128xf32, #tpu.memory_space<hbm>> -> memref<128x128xf32, #tpu.memory_space<hbm>>
      tpu.wait_dma2 semaphore(%arg17 : memref<!tpu.dma_semaphore, #tpu.memory_space<semaphore_mem>>) src(%dma_wait3A_115 : memref<128x128xf32, #tpu.memory_space<hbm>>) dst(%arg10 : memref<128x128xf32, #tpu.memory_space<vmem>>)
      "tpu.region"() ({
        %run_scoped3A = tpu.sem_alloc : memref<!tpu.dma_semaphore, #tpu.memory_space<semaphore_mem>>
        %dma_start3A_168 = arith.constant 0 : i32
        %dma_start3A_169 = arith.constant 0 : i32
        %dma_start3A_170 = tpu.memref_slice %arg12[%dma_start3A_168, %dma_start3A_169] : memref<10112x128xf32, #tpu.memory_space<vmem_shared>> -> memref<10112x128xf32, #tpu.memory_space<vmem_shared>>
        tpu.enqueue_indirect_dma source(%arg10 : memref<128x128xf32, #tpu.memory_space<vmem>>) target(%dma_start3A_170 : memref<10112x128xf32, #tpu.memory_space<vmem_shared>>) offsets(%arg7 : memref<128xi32, #tpu.memory_space<vmem>>) semaphore(%run_scoped3A : memref<!tpu.dma_semaphore, #tpu.memory_space<semaphore_mem>>) {add = true}
        %dma_wait3A_171 = arith.constant 0 : i32
        %dma_wait3A_172 = arith.constant 0 : i32
        %dma_wait3A_173 = tpu.memref_slice %arg12[%dma_wait3A_171, %dma_wait3A_172] : memref<10112x128xf32, #tpu.memory_space<vmem_shared>> -> memref<10112x128xf32, #tpu.memory_space<vmem_shared>>
        tpu.wait_indirect_dma semaphore(%run_scoped3A : memref<!tpu.dma_semaphore, #tpu.memory_space<semaphore_mem>>) src(%arg10 : memref<128x128xf32, #tpu.memory_space<vmem>>) dst(%dma_wait3A_173 : memref<10112x128xf32, #tpu.memory_space<vmem_shared>>)
        tpu.yield
      }) : () -> ()
      %add3A_116 = arith.constant 3 : i32
      %add3A_117 = arith.addi %add3A_101, %add3A_116 : i32
      %lt3A_118 = arith.constant 78 : i32
      %lt3A_119 = arith.cmpi slt, %add3A_117, %lt3A_118 : i32
      %convert_element_type3A_120 = arith.extui %lt3A_119 : i1 to i32
      %cond3A_121 = arith.constant 0 : i32
      %cond3A_122 = arith.cmpi ne, %convert_element_type3A_120, %cond3A_121 : i32
      scf.if %cond3A_122 {
        %add3A_168 = arith.constant 3 : i32
        %add3A_169 = arith.addi %add3A_102, %add3A_168 : i32
        %mul3A_170 = arith.constant 128 : i32
        %mul3A_171 = arith.muli %add3A_169, %mul3A_170 : i32
        %dma_start3A_172 = arith.constant 0 : i32
        %dma_start3A_173 = tpu.memref_slice %arg3[%dma_start3A_172, %mul3A_171] : memref<2x320000xi32, #tpu.memory_space<hbm>> -> memref<1x128xi32, #tpu.memory_space<hbm>>
        %dma_start3A_174 = tpu.memref_squeeze %dma_start3A_173 : memref<1x128xi32, #tpu.memory_space<hbm>> -> memref<128xi32, #tpu.memory_space<hbm>>
        %dma_start3A_175 = tpu.memref_slice %arg3[%dma_start3A_172, %mul3A_171] : memref<2x320000xi32, #tpu.memory_space<hbm>> -> memref<1x128xi32, #tpu.memory_space<hbm>>
        %dma_start3A_176 = tpu.memref_squeeze %dma_start3A_175 : memref<1x128xi32, #tpu.memory_space<hbm>> -> memref<128xi32, #tpu.memory_space<hbm>>
        tpu.enqueue_dma source(%dma_start3A_176 : memref<128xi32, #tpu.memory_space<hbm>>) target(%arg7 : memref<128xi32, #tpu.memory_space<vmem>>) target_semaphore(%arg14 : memref<!tpu.dma_semaphore, #tpu.memory_space<semaphore_mem>>)
        %add3A_177 = arith.constant 3 : i32
        %add3A_178 = arith.addi %add3A_102, %add3A_177 : i32
        %mul3A_179 = arith.constant 128 : i32
        %mul3A_180 = arith.muli %add3A_178, %mul3A_179 : i32
        %dma_start3A_181 = arith.constant 0 : i32
        %dma_start3A_182 = tpu.memref_slice %arg2[%mul3A_180, %dma_start3A_181] : memref<320000x128xf32, #tpu.memory_space<hbm>> -> memref<128x128xf32, #tpu.memory_space<hbm>>
        %dma_start3A_183 = arith.constant 0 : i32
        %dma_start3A_184 = tpu.memref_slice %arg2[%mul3A_180, %dma_start3A_183] : memref<320000x128xf32, #tpu.memory_space<hbm>> -> memref<128x128xf32, #tpu.memory_space<hbm>>
        tpu.enqueue_dma source(%dma_start3A_184 : memref<128x128xf32, #tpu.memory_space<hbm>>) target(%arg10 : memref<128x128xf32, #tpu.memory_space<vmem>>) target_semaphore(%arg17 : memref<!tpu.dma_semaphore, #tpu.memory_space<semaphore_mem>>)
      } else {
      }
      %add3A_123 = arith.constant 3 : i32
      %add3A_124 = arith.addi %add3A_101, %add3A_123 : i32
      %eq3A_125 = arith.constant 78 : i32
      %eq3A_126 = arith.cmpi eq, %add3A_124, %eq3A_125 : i32
      %lt3A_127 = arith.constant 4 : i32
      %lt3A_128 = arith.cmpi slt, %add3A, %lt3A_127 : i32
      %and3A_129 = arith.andi %eq3A_126, %lt3A_128 : i1
      %convert_element_type3A_130 = arith.extui %and3A_129 : i1 to i32
      %cond3A_131 = arith.constant 0 : i32
      %cond3A_132 = arith.cmpi ne, %convert_element_type3A_130, %cond3A_131 : i32
      scf.if %cond3A_132 {
        %mul3A_168 = arith.constant 128 : i32
        %mul3A_169 = arith.muli %add3A_6, %mul3A_168 : i32
        %dma_start3A_170 = arith.constant 0 : i32
        %dma_start3A_171 = tpu.memref_slice %arg3[%dma_start3A_170, %mul3A_169] : memref<2x320000xi32, #tpu.memory_space<hbm>> -> memref<1x128xi32, #tpu.memory_space<hbm>>
        %dma_start3A_172 = tpu.memref_squeeze %dma_start3A_171 : memref<1x128xi32, #tpu.memory_space<hbm>> -> memref<128xi32, #tpu.memory_space<hbm>>
        %dma_start3A_173 = tpu.memref_slice %arg3[%dma_start3A_170, %mul3A_169] : memref<2x320000xi32, #tpu.memory_space<hbm>> -> memref<1x128xi32, #tpu.memory_space<hbm>>
        %dma_start3A_174 = tpu.memref_squeeze %dma_start3A_173 : memref<1x128xi32, #tpu.memory_space<hbm>> -> memref<128xi32, #tpu.memory_space<hbm>>
        tpu.enqueue_dma source(%dma_start3A_174 : memref<128xi32, #tpu.memory_space<hbm>>) target(%arg7 : memref<128xi32, #tpu.memory_space<vmem>>) target_semaphore(%arg14 : memref<!tpu.dma_semaphore, #tpu.memory_space<semaphore_mem>>)
        %mul3A_175 = arith.constant 128 : i32
        %mul3A_176 = arith.muli %add3A_6, %mul3A_175 : i32
        %dma_start3A_177 = arith.constant 0 : i32
        %dma_start3A_178 = tpu.memref_slice %arg2[%mul3A_176, %dma_start3A_177] : memref<320000x128xf32, #tpu.memory_space<hbm>> -> memref<128x128xf32, #tpu.memory_space<hbm>>
        %dma_start3A_179 = arith.constant 0 : i32
        %dma_start3A_180 = tpu.memref_slice %arg2[%mul3A_176, %dma_start3A_179] : memref<320000x128xf32, #tpu.memory_space<hbm>> -> memref<128x128xf32, #tpu.memory_space<hbm>>
        tpu.enqueue_dma source(%dma_start3A_180 : memref<128x128xf32, #tpu.memory_space<hbm>>) target(%arg10 : memref<128x128xf32, #tpu.memory_space<vmem>>) target_semaphore(%arg17 : memref<!tpu.dma_semaphore, #tpu.memory_space<semaphore_mem>>)
      } else {
      }
      %mul3A_133 = arith.constant 3 : i32
      %mul3A_134 = arith.muli %mul3A_133, %scan3A_65 : i32
      %add3A_135 = arith.constant 2 : i32
      %add3A_136 = arith.addi %mul3A_134, %add3A_135 : i32
      %add3A_137 = arith.addi %mul3A_4, %add3A_136 : i32
      %mul3A_138 = arith.constant 128 : i32
      %mul3A_139 = arith.muli %add3A_137, %mul3A_138 : i32
      %dma_wait3A_140 = arith.constant 0 : i32
      %dma_wait3A_141 = tpu.memref_slice %arg3[%dma_wait3A_140, %mul3A_139] : memref<2x320000xi32, #tpu.memory_space<hbm>> -> memref<1x128xi32, #tpu.memory_space<hbm>>
      %dma_wait3A_142 = tpu.memref_squeeze %dma_wait3A_141 : memref<1x128xi32, #tpu.memory_space<hbm>> -> memref<128xi32, #tpu.memory_space<hbm>>
      %dma_wait3A_143 = tpu.memref_slice %arg3[%dma_wait3A_140, %mul3A_139] : memref<2x320000xi32, #tpu.memory_space<hbm>> -> memref<1x128xi32, #tpu.memory_space<hbm>>
      %dma_wait3A_144 = tpu.memref_squeeze %dma_wait3A_143 : memref<1x128xi32, #tpu.memory_space<hbm>> -> memref<128xi32, #tpu.memory_space<hbm>>
      tpu.wait_dma2 semaphore(%arg15 : memref<!tpu.dma_semaphore, #tpu.memory_space<semaphore_mem>>) src(%dma_wait3A_144 : memref<128xi32, #tpu.memory_space<hbm>>) dst(%arg8 : memref<128xi32, #tpu.memory_space<vmem>>)
      %mul3A_145 = arith.constant 128 : i32
      %mul3A_146 = arith.muli %add3A_137, %mul3A_145 : i32
      %dma_wait3A_147 = arith.constant 0 : i32
      %dma_wait3A_148 = tpu.memref_slice %arg2[%mul3A_146, %dma_wait3A_147] : memref<320000x128xf32, #tpu.memory_space<hbm>> -> memref<128x128xf32, #tpu.memory_space<hbm>>
      %dma_wait3A_149 = arith.constant 0 : i32
      %dma_wait3A_150 = tpu.memref_slice %arg2[%mul3A_146, %dma_wait3A_149] : memref<320000x128xf32, #tpu.memory_space<hbm>> -> memref<128x128xf32, #tpu.memory_space<hbm>>
      tpu.wait_dma2 semaphore(%arg18 : memref<!tpu.dma_semaphore, #tpu.memory_space<semaphore_mem>>) src(%dma_wait3A_150 : memref<128x128xf32, #tpu.memory_space<hbm>>) dst(%arg11 : memref<128x128xf32, #tpu.memory_space<vmem>>)
      "tpu.region"() ({
        %run_scoped3A = tpu.sem_alloc : memref<!tpu.dma_semaphore, #tpu.memory_space<semaphore_mem>>
        %dma_start3A_168 = arith.constant 0 : i32
        %dma_start3A_169 = arith.constant 0 : i32
        %dma_start3A_170 = tpu.memref_slice %arg12[%dma_start3A_168, %dma_start3A_169] : memref<10112x128xf32, #tpu.memory_space<vmem_shared>> -> memref<10112x128xf32, #tpu.memory_space<vmem_shared>>
        tpu.enqueue_indirect_dma source(%arg11 : memref<128x128xf32, #tpu.memory_space<vmem>>) target(%dma_start3A_170 : memref<10112x128xf32, #tpu.memory_space<vmem_shared>>) offsets(%arg8 : memref<128xi32, #tpu.memory_space<vmem>>) semaphore(%run_scoped3A : memref<!tpu.dma_semaphore, #tpu.memory_space<semaphore_mem>>) {add = true}
        %dma_wait3A_171 = arith.constant 0 : i32
        %dma_wait3A_172 = arith.constant 0 : i32
        %dma_wait3A_173 = tpu.memref_slice %arg12[%dma_wait3A_171, %dma_wait3A_172] : memref<10112x128xf32, #tpu.memory_space<vmem_shared>> -> memref<10112x128xf32, #tpu.memory_space<vmem_shared>>
        tpu.wait_indirect_dma semaphore(%run_scoped3A : memref<!tpu.dma_semaphore, #tpu.memory_space<semaphore_mem>>) src(%arg11 : memref<128x128xf32, #tpu.memory_space<vmem>>) dst(%dma_wait3A_173 : memref<10112x128xf32, #tpu.memory_space<vmem_shared>>)
        tpu.yield
      }) : () -> ()
      %add3A_151 = arith.constant 3 : i32
      %add3A_152 = arith.addi %add3A_136, %add3A_151 : i32
      %lt3A_153 = arith.constant 78 : i32
      %lt3A_154 = arith.cmpi slt, %add3A_152, %lt3A_153 : i32
      %convert_element_type3A_155 = arith.extui %lt3A_154 : i1 to i32
      %cond3A_156 = arith.constant 0 : i32
      %cond3A_157 = arith.cmpi ne, %convert_element_type3A_155, %cond3A_156 : i32
      scf.if %cond3A_157 {
        %add3A_168 = arith.constant 3 : i32
        %add3A_169 = arith.addi %add3A_137, %add3A_168 : i32
        %mul3A_170 = arith.constant 128 : i32
        %mul3A_171 = arith.muli %add3A_169, %mul3A_170 : i32
        %dma_start3A_172 = arith.constant 0 : i32
        %dma_start3A_173 = tpu.memref_slice %arg3[%dma_start3A_172, %mul3A_171] : memref<2x320000xi32, #tpu.memory_space<hbm>> -> memref<1x128xi32, #tpu.memory_space<hbm>>
        %dma_start3A_174 = tpu.memref_squeeze %dma_start3A_173 : memref<1x128xi32, #tpu.memory_space<hbm>> -> memref<128xi32, #tpu.memory_space<hbm>>
        %dma_start3A_175 = tpu.memref_slice %arg3[%dma_start3A_172, %mul3A_171] : memref<2x320000xi32, #tpu.memory_space<hbm>> -> memref<1x128xi32, #tpu.memory_space<hbm>>
        %dma_start3A_176 = tpu.memref_squeeze %dma_start3A_175 : memref<1x128xi32, #tpu.memory_space<hbm>> -> memref<128xi32, #tpu.memory_space<hbm>>
        tpu.enqueue_dma source(%dma_start3A_176 : memref<128xi32, #tpu.memory_space<hbm>>) target(%arg8 : memref<128xi32, #tpu.memory_space<vmem>>) target_semaphore(%arg15 : memref<!tpu.dma_semaphore, #tpu.memory_space<semaphore_mem>>)
        %add3A_177 = arith.constant 3 : i32
        %add3A_178 = arith.addi %add3A_137, %add3A_177 : i32
        %mul3A_179 = arith.constant 128 : i32
        %mul3A_180 = arith.muli %add3A_178, %mul3A_179 : i32
        %dma_start3A_181 = arith.constant 0 : i32
        %dma_start3A_182 = tpu.memref_slice %arg2[%mul3A_180, %dma_start3A_181] : memref<320000x128xf32, #tpu.memory_space<hbm>> -> memref<128x128xf32, #tpu.memory_space<hbm>>
        %dma_start3A_183 = arith.constant 0 : i32
        %dma_start3A_184 = tpu.memref_slice %arg2[%mul3A_180, %dma_start3A_183] : memref<320000x128xf32, #tpu.memory_space<hbm>> -> memref<128x128xf32, #tpu.memory_space<hbm>>
        tpu.enqueue_dma source(%dma_start3A_184 : memref<128x128xf32, #tpu.memory_space<hbm>>) target(%arg11 : memref<128x128xf32, #tpu.memory_space<vmem>>) target_semaphore(%arg18 : memref<!tpu.dma_semaphore, #tpu.memory_space<semaphore_mem>>)
      } else {
      }
      %add3A_158 = arith.constant 3 : i32
      %add3A_159 = arith.addi %add3A_136, %add3A_158 : i32
      %eq3A_160 = arith.constant 78 : i32
      %eq3A_161 = arith.cmpi eq, %add3A_159, %eq3A_160 : i32
      %lt3A_162 = arith.constant 4 : i32
      %lt3A_163 = arith.cmpi slt, %add3A, %lt3A_162 : i32
      %and3A_164 = arith.andi %eq3A_161, %lt3A_163 : i1
      %convert_element_type3A_165 = arith.extui %and3A_164 : i1 to i32
      %cond3A_166 = arith.constant 0 : i32
      %cond3A_167 = arith.cmpi ne, %convert_element_type3A_165, %cond3A_166 : i32
      scf.if %cond3A_167 {
        %mul3A_168 = arith.constant 128 : i32
        %mul3A_169 = arith.muli %add3A_6, %mul3A_168 : i32
        %dma_start3A_170 = arith.constant 0 : i32
        %dma_start3A_171 = tpu.memref_slice %arg3[%dma_start3A_170, %mul3A_169] : memref<2x320000xi32, #tpu.memory_space<hbm>> -> memref<1x128xi32, #tpu.memory_space<hbm>>
        %dma_start3A_172 = tpu.memref_squeeze %dma_start3A_171 : memref<1x128xi32, #tpu.memory_space<hbm>> -> memref<128xi32, #tpu.memory_space<hbm>>
        %dma_start3A_173 = tpu.memref_slice %arg3[%dma_start3A_170, %mul3A_169] : memref<2x320000xi32, #tpu.memory_space<hbm>> -> memref<1x128xi32, #tpu.memory_space<hbm>>
        %dma_start3A_174 = tpu.memref_squeeze %dma_start3A_173 : memref<1x128xi32, #tpu.memory_space<hbm>> -> memref<128xi32, #tpu.memory_space<hbm>>
        tpu.enqueue_dma source(%dma_start3A_174 : memref<128xi32, #tpu.memory_space<hbm>>) target(%arg8 : memref<128xi32, #tpu.memory_space<vmem>>) target_semaphore(%arg15 : memref<!tpu.dma_semaphore, #tpu.memory_space<semaphore_mem>>)
        %mul3A_175 = arith.constant 128 : i32
        %mul3A_176 = arith.muli %add3A_6, %mul3A_175 : i32
        %dma_start3A_177 = arith.constant 0 : i32
        %dma_start3A_178 = tpu.memref_slice %arg2[%mul3A_176, %dma_start3A_177] : memref<320000x128xf32, #tpu.memory_space<hbm>> -> memref<128x128xf32, #tpu.memory_space<hbm>>
        %dma_start3A_179 = arith.constant 0 : i32
        %dma_start3A_180 = tpu.memref_slice %arg2[%mul3A_176, %dma_start3A_179] : memref<320000x128xf32, #tpu.memory_space<hbm>> -> memref<128x128xf32, #tpu.memory_space<hbm>>
        tpu.enqueue_dma source(%dma_start3A_180 : memref<128x128xf32, #tpu.memory_space<hbm>>) target(%arg11 : memref<128x128xf32, #tpu.memory_space<vmem>>) target_semaphore(%arg18 : memref<!tpu.dma_semaphore, #tpu.memory_space<semaphore_mem>>)
      } else {
      }
    }
    %scan3A_61 = arith.constant 26 : i32
    %lt3A = arith.constant 4 : i32
    %lt3A_62 = arith.cmpi slt, %add3A, %lt3A : i32
    %convert_element_type3A = arith.extui %lt3A_62 : i1 to i32
    %cond3A = arith.constant 0 : i32
    %cond3A_63 = arith.cmpi ne, %convert_element_type3A, %cond3A : i32
    scf.if %cond3A_63 {
      %mul3A_65 = arith.constant 128 : i32
      %mul3A_66 = arith.muli %add3A_6, %mul3A_65 : i32
      %dma_wait3A = arith.constant 0 : i32
      %dma_wait3A_67 = tpu.memref_slice %arg3[%dma_wait3A, %mul3A_66] : memref<2x320000xi32, #tpu.memory_space<hbm>> -> memref<1x128xi32, #tpu.memory_space<hbm>>
      %dma_wait3A_68 = tpu.memref_squeeze %dma_wait3A_67 : memref<1x128xi32, #tpu.memory_space<hbm>> -> memref<128xi32, #tpu.memory_space<hbm>>
      %dma_wait3A_69 = tpu.memref_slice %arg3[%dma_wait3A, %mul3A_66] : memref<2x320000xi32, #tpu.memory_space<hbm>> -> memref<1x128xi32, #tpu.memory_space<hbm>>
      %dma_wait3A_70 = tpu.memref_squeeze %dma_wait3A_69 : memref<1x128xi32, #tpu.memory_space<hbm>> -> memref<128xi32, #tpu.memory_space<hbm>>
      tpu.wait_dma2 semaphore(%arg13 : memref<!tpu.dma_semaphore, #tpu.memory_space<semaphore_mem>>) src(%dma_wait3A_70 : memref<128xi32, #tpu.memory_space<hbm>>) dst(%arg6 : memref<128xi32, #tpu.memory_space<vmem>>)
      %mul3A_71 = arith.constant 128 : i32
      %mul3A_72 = arith.muli %add3A_6, %mul3A_71 : i32
      %dma_wait3A_73 = arith.constant 0 : i32
      %dma_wait3A_74 = tpu.memref_slice %arg2[%mul3A_72, %dma_wait3A_73] : memref<320000x128xf32, #tpu.memory_space<hbm>> -> memref<128x128xf32, #tpu.memory_space<hbm>>
      %dma_wait3A_75 = arith.constant 0 : i32
      %dma_wait3A_76 = tpu.memref_slice %arg2[%mul3A_72, %dma_wait3A_75] : memref<320000x128xf32, #tpu.memory_space<hbm>> -> memref<128x128xf32, #tpu.memory_space<hbm>>
      tpu.wait_dma2 semaphore(%arg16 : memref<!tpu.dma_semaphore, #tpu.memory_space<semaphore_mem>>) src(%dma_wait3A_76 : memref<128x128xf32, #tpu.memory_space<hbm>>) dst(%arg9 : memref<128x128xf32, #tpu.memory_space<vmem>>)
      "tpu.region"() ({
        %run_scoped3A = tpu.sem_alloc : memref<!tpu.dma_semaphore, #tpu.memory_space<semaphore_mem>>
        %dma_start3A_77 = arith.constant 0 : i32
        %dma_start3A_78 = arith.constant 0 : i32
        %dma_start3A_79 = tpu.memref_slice %arg12[%dma_start3A_77, %dma_start3A_78] : memref<10112x128xf32, #tpu.memory_space<vmem_shared>> -> memref<10112x128xf32, #tpu.memory_space<vmem_shared>>
        tpu.enqueue_indirect_dma source(%arg9 : memref<128x128xf32, #tpu.memory_space<vmem>>) target(%dma_start3A_79 : memref<10112x128xf32, #tpu.memory_space<vmem_shared>>) offsets(%arg6 : memref<128xi32, #tpu.memory_space<vmem>>) semaphore(%run_scoped3A : memref<!tpu.dma_semaphore, #tpu.memory_space<semaphore_mem>>) {add = true}
        %dma_wait3A_80 = arith.constant 0 : i32
        %dma_wait3A_81 = arith.constant 0 : i32
        %dma_wait3A_82 = tpu.memref_slice %arg12[%dma_wait3A_80, %dma_wait3A_81] : memref<10112x128xf32, #tpu.memory_space<vmem_shared>> -> memref<10112x128xf32, #tpu.memory_space<vmem_shared>>
        tpu.wait_indirect_dma semaphore(%run_scoped3A : memref<!tpu.dma_semaphore, #tpu.memory_space<semaphore_mem>>) src(%arg9 : memref<128x128xf32, #tpu.memory_space<vmem>>) dst(%dma_wait3A_82 : memref<10112x128xf32, #tpu.memory_space<vmem_shared>>)
        tpu.yield
      }) : () -> ()
    } else {
    }
    %barrier3A_64 = arith.constant 0 : index
    tpu.barrier barrier_id(%barrier3A_64)
    "tpu.region"() ({
      %run_scoped3A = tpu.sem_alloc : memref<!tpu.dma_semaphore, #tpu.memory_space<semaphore_mem>>
      %dma_start3A_65 = arith.constant 0 : i32
      %dma_start3A_66 = tpu.memref_slice %arg5[%arg0, %mul3A_2, %dma_start3A_65] : memref<2x10112x128xf32, #tpu.memory_space<hbm>> -> memref<1x632x128xf32, #tpu.memory_space<hbm>>
      %dma_start3A_67 = tpu.memref_squeeze %dma_start3A_66 : memref<1x632x128xf32, #tpu.memory_space<hbm>> -> memref<632x128xf32, #tpu.memory_space<hbm>>
      %dma_start3A_68 = arith.constant 0 : i32
      %dma_start3A_69 = tpu.memref_slice %arg12[%mul3A_2, %dma_start3A_68] : memref<10112x128xf32, #tpu.memory_space<vmem_shared>> -> memref<632x128xf32, #tpu.memory_space<vmem_shared>>
      tpu.enqueue_dma source(%dma_start3A_69 : memref<632x128xf32, #tpu.memory_space<vmem_shared>>) target(%dma_start3A_67 : memref<632x128xf32, #tpu.memory_space<hbm>>) target_semaphore(%run_scoped3A : memref<!tpu.dma_semaphore, #tpu.memory_space<semaphore_mem>>)
      %dma_wait3A = arith.constant 0 : i32
      %dma_wait3A_70 = tpu.memref_slice %arg5[%arg0, %mul3A_2, %dma_wait3A] : memref<2x10112x128xf32, #tpu.memory_space<hbm>> -> memref<1x632x128xf32, #tpu.memory_space<hbm>>
      %dma_wait3A_71 = tpu.memref_squeeze %dma_wait3A_70 : memref<1x632x128xf32, #tpu.memory_space<hbm>> -> memref<632x128xf32, #tpu.memory_space<hbm>>
      %dma_wait3A_72 = arith.constant 0 : i32
      %dma_wait3A_73 = tpu.memref_slice %arg12[%mul3A_2, %dma_wait3A_72] : memref<10112x128xf32, #tpu.memory_space<vmem_shared>> -> memref<632x128xf32, #tpu.memory_space<vmem_shared>>
      tpu.wait_dma2 semaphore(%run_scoped3A : memref<!tpu.dma_semaphore, #tpu.memory_space<semaphore_mem>>) src(%dma_wait3A_73 : memref<632x128xf32, #tpu.memory_space<vmem_shared>>) dst(%dma_wait3A_71 : memref<632x128xf32, #tpu.memory_space<hbm>>)
      tpu.yield
    }) : () -> ()
    return
  }
}

module attributes {stable_mosaic.version = 14 : i64} {
  func.func @body(%arg0: i32, %arg1: memref<2x5000x128xf32, #tpu.memory_space<vmem>>, %arg2: memref<5000x128xf32, #tpu.memory_space<vmem>>) attributes {dimension_semantics = [#tpu.dimension_semantics<arbitrary>], iteration_bounds = array<i64: 2>, scalar_prefetch = 0 : i64, scratch_operands = 0 : i64, tpu.core_type = #tpu.core_type<tc>, window_params = [{transform_indices = @transform_0, window_bounds = array<i64: 2, 5000, 128>}, {transform_indices = @transform_1, window_bounds = array<i64: 5000, 128>}]} {
    %get3A = arith.constant 0 : index
    %get3A_0 = arith.constant 0 : index
    %get3A_1 = arith.constant 0 : index
    %get3A_2 = vector.load %arg1[%get3A, %get3A_0, %get3A_1] : memref<2x5000x128xf32, #tpu.memory_space<vmem>>, vector<1x5000x128xf32>
    %get3A_3 = vector.shape_cast %get3A_2 : vector<1x5000x128xf32> to vector<5000x128xf32>
    %get3A_4 = arith.constant 1 : index
    %get3A_5 = arith.constant 0 : index
    %get3A_6 = arith.constant 0 : index
    %get3A_7 = vector.load %arg1[%get3A_4, %get3A_5, %get3A_6] : memref<2x5000x128xf32, #tpu.memory_space<vmem>>, vector<1x5000x128xf32>
    %get3A_8 = vector.shape_cast %get3A_7 : vector<1x5000x128xf32> to vector<5000x128xf32>
    %add3A = arith.addf %get3A_3, %get3A_8 : vector<5000x128xf32>
    %mul3A = arith.constant 0.176776692 : f32
    %mul3A_9 = vector.broadcast %mul3A : f32 to vector<5000x128xf32>
    %mul3A_10 = arith.mulf %add3A, %mul3A_9 : vector<5000x128xf32>
    %swap3A = arith.constant 0 : index
    %swap3A_11 = arith.constant 0 : index
    %swap3A_12 = vector.load %arg2[%swap3A, %swap3A_11] : memref<5000x128xf32, #tpu.memory_space<vmem>>, vector<5000x128xf32>
    tpu.vector_store %arg2[%swap3A, %swap3A_11], %mul3A_10 {strides = array<i32>} : memref<5000x128xf32, #tpu.memory_space<vmem>>, vector<5000x128xf32>,
    return
  }
  func.func @transform_0(%arg0: i32) -> (i32, i32, i32) {
    %c0_i32 = arith.constant 0 : i32
    %c0_i32_0 = arith.constant 0 : i32
    %c0_i32_1 = arith.constant 0 : i32
    return %c0_i32, %arg0, %c0_i32_0 : i32, i32, i32
  }
  func.func @transform_1(%arg0: i32) -> (i32, i32) {
    %c0_i32 = arith.constant 0 : i32
    %c0_i32_0 = arith.constant 0 : i32
    return %arg0, %c0_i32 : i32, i32
  }
}

</mosaic_0001>

<sc_bundles>
// kernel: kernel.4.cloned.1.call-start
scs
__scs_entry_jumppad:
0x0: {  	(pc) =	sbr.rel $0x88, $3  }
0x1: {  	(tag) =	ssettag $0x0;
	lr =	simm.s32 $0x1  }
0x2: {  	[smem:$0x3F9F] =	sst lr;
	_ =	strace $0xD0000000  }
0x3: {  	_ = 	snop  }
0x4: {  	_ = 	snop  }
0x5: {  	_ = 	snop  }
0x6: {  	_ = 	snop  }
0x7: {  	_ = 	snop  }
__scs_overlays_trampoline_lowered:
0x8: {  	[smem:$0x3FAE] =	sst s0  }
0x9: {  	[smem:$0x3FAF] =	sst s1  }
0xa: {  	[smem:$0x3FB0] =	sst s2  }
0xb: {  	[smem:$0x3FB1] =	sst s3  }
0xc: {  	[smem:$0x3FB2] =	sst s4  }
0xd: {  	[smem:$0x3FB3] =	sst s5  }
0xe: {  	[smem:$0x3FB4] =	sst s6  }
0xf: {  	[smem:$0x3FB5] =	sst s7  }
0x10: {  	[smem:$0x3FB6] =	sst s8  }
0x11: {  	[smem:$0x3FB7] =	sst s9;
	s0 =	simm.s32 @!p0 $0x0  }
0x12: {  	s1 =	sld [smem:$0x3F9D];
	s0 =	simm.s32 @p0 $0x1  }
0x13: {  	[smem:$0x3FB8] =	sst s0;
	s0 =	simm.s32 @!p1 $0x0  }
0x14: {  	s2 =	sld [smem:$0x3F9C];
	s0 =	simm.s32 @p1 $0x1  }
0x15: {  	[smem:$0x3FB9] =	sst s0;
	s0 =	simm.s32 @!p2 $0x0  }
0x16: {  	s3 =	sld [smem:$0x3FDB];
	s0 =	simm.s32 @p2 $0x1  }
0x17: {  	s4 =	simm.s32 $0x1BF5;
	[smem:$0x3FBB] =	sst s0  }
0x18: {  	s0 =	sld [smem:$0x3F9E];
	_ =	swait.ge [sflag:s4], $0x0  }
0x19: {  	s7 =	sld [smem:$0x3F9F]  }
0x1a: {  	s8 =	sadd.s32 $0xFFFFE003, lr  }
0x1b: {  	s9 =	sadd.s32 $0xFFFFFEF7, lr;
	s5 =	simm.s32 $0xFFFFFFFF;
	p2 =	slt.u32 s8, $0xFFFFF086  }
0x1c: {  	p1 =	slt.u32 s9, $0xF7A;
	s5 =	simm.s32 @!p2 $0x0  }
0x1d: {  	s5 =	simm.s32 @p1 $0x1;
	p0 =	seq.s32 s7, s2  }
0x1e: {  	s7 =	smul.u32 @!p0 $0xF7A, s2;
	p2 =	seq.s32 @!p0 s5, $0x0  }
0x1f: {  	s9 =	smul.u32 $0xF7A, s1;
	s8 =	simm.s32 @!p0 $0x1BF5;
	p2 =	por !p2, p0  }
0x20: {  	[sflag:s8] =	ssyncset.s32 @!p0 $0xFFFFF086;
	s6 =	sadd.s32 @!p0 s3, s7;
	s7 =	simm.s32 @!p0 $0x108  }
0x21: {  	s3 =	sadd.s32 s3, s9;
	s6 =	sadd.s32 @!p0 $0x88, s6;
	s7 =	simm.s32 @p2 $0x1082  }
0x22: {  	[simem:s7], [sflag:s8] =	dma.local @!p0 [hbm:s6], $0xF7A  }
0x23: {  	s9 =	sor.u32 $0xD0000000, s2;
	s6 =	simm.s32 $0x108;
	_ =	swait.ge @!p0 [sflag:s8], $0x0  }
0x24: {  	s3 =	sadd.s32 $0x88, s3;
	s6 =	simm.s32 @!p1 $0x1082;
	[sflag:s4] =	ssyncset.s32 $0xFFFFF086  }
0x25: {  	[simem:s6], [sflag:s4] =	dma.local [hbm:s3], $0xF7A  }
0x26: {  	[smem:$0x3F9F] =	sst s1;
	(tag) =	ssettag s2;
	_ =	strace s9  }
0x27: {  	s1 =	sld [smem:$0x3FAF]  }
0x28: {  	s2 =	sld [smem:$0x3FB0]  }
0x29: {  	s4 =	sld [smem:$0x3FB2]  }
0x2a: {  	p0 =	seq.s32 s5, $0x0;
	s5 =	sld [smem:$0x3FB3]  }
0x2b: {  	s6 =	sld [smem:$0x3FB4]  }
0x2c: {  	s7 =	sld [smem:$0x3FB5]  }
0x2d: {  	s3 =	simm.s32 $0x108;
	s8 =	sld [smem:$0x3FB6]  }
0x2e: {  	s3 =	simm.s32 @!p0 $0x1082;
	s9 =	sld [smem:$0x3FB7]  }
0x2f: {  	lr =	sadd.s32 s0, s3;
	s0 =	sld [smem:$0x3FAE]  }
0x30: {  	s3 =	sld [smem:$0x3FB1]  }
0x31: {  	[smem:$0x3FBA] =	sst s10  }
0x32: {  	s10 =	sld [smem:$0x3FB8];
	_ =	sdelay $0x3  }
0x33: {  	p0 =	seq.s32 s10, $0x1;
	s10 =	sld [smem:$0x3FBA];
	_ =	sdelay $0x3  }
0x34: {  	[smem:$0x3FBA] =	sst s10  }
0x35: {  	s10 =	sld [smem:$0x3FB9];
	_ =	sdelay $0x3  }
0x36: {  	p1 =	seq.s32 s10, $0x1;
	s10 =	sld [smem:$0x3FBA];
	_ =	sdelay $0x3  }
0x37: {  	[smem:$0x3FBA] =	sst s10  }
0x38: {  	s10 =	sld [smem:$0x3FBB]  }
0x39: {  	_ = 	snop;
	(pc) =	sbr.ind lr, $3  }
0x3a: {  	_ = 	snop  }
0x3b: {  	_ = 	snop  }
0x3c: {  	p2 =	seq.s32 s10, $0x1;
	s10 =	sld [smem:$0x3FBA]  }
0x3d: {  	_ =	shalt  }
0x3e: {  	_ =	shalt  }
0x3f: {  	_ =	shalt  }
0x40: {  	_ =	shalt  }
0x41: {  	_ =	shalt  }
0x42: {  	_ =	shalt  }
0x43: {  	_ =	shalt  }
0x44: {  	_ =	shalt  }
0x45: {  	_ =	shalt  }
0x46: {  	_ =	shalt  }
0x47: {  	_ =	shalt  }
0x48: {  	_ =	shalt  }
0x49: {  	_ =	shalt  }
0x4a: {  	_ =	shalt  }
0x4b: {  	_ =	shalt  }
0x4c: {  	_ =	shalt  }
0x4d: {  	_ =	shalt  }
0x4e: {  	_ =	shalt  }
0x4f: {  	_ =	shalt  }
0x50: {  	_ =	shalt  }
0x51: {  	_ =	shalt  }
0x52: {  	_ =	shalt  }
0x53: {  	_ =	shalt  }
0x54: {  	_ =	shalt  }
0x55: {  	_ =	shalt  }
0x56: {  	_ =	shalt  }
0x57: {  	_ =	shalt  }
0x58: {  	_ =	shalt  }
0x59: {  	_ =	shalt  }
0x5a: {  	_ =	shalt  }
0x5b: {  	_ =	shalt  }
0x5c: {  	_ =	shalt  }
0x5d: {  	_ =	shalt  }
0x5e: {  	_ =	shalt  }
0x5f: {  	_ =	shalt  }
0x60: {  	_ =	shalt  }
0x61: {  	_ =	shalt  }
0x62: {  	_ =	shalt  }
0x63: {  	_ =	shalt  }
0x64: {  	_ =	shalt  }
0x65: {  	_ =	shalt  }
0x66: {  	_ =	shalt  }
0x67: {  	_ =	shalt  }
0x68: {  	_ =	shalt  }
0x69: {  	_ =	shalt  }
0x6a: {  	_ =	shalt  }
0x6b: {  	_ =	shalt  }
0x6c: {  	_ =	shalt  }
0x6d: {  	_ =	shalt  }
0x6e: {  	_ =	shalt  }
0x6f: {  	_ =	shalt  }
0x70: {  	_ =	shalt  }
0x71: {  	_ =	shalt  }
0x72: {  	_ =	shalt  }
0x73: {  	_ =	shalt  }
0x74: {  	_ =	shalt  }
0x75: {  	_ =	shalt  }
0x76: {  	_ =	shalt  }
0x77: {  	_ =	shalt  }
0x78: {  	_ =	shalt  }
0x79: {  	_ =	shalt  }
0x7a: {  	_ =	shalt  }
0x7b: {  	_ =	shalt  }
0x7c: {  	_ =	shalt  }
0x7d: {  	_ =	shalt  }
0x7e: {  	_ =	shalt  }
0x7f: {  	_ =	shalt  }
0x80: {  	_ =	shalt  }
0x81: {  	_ =	shalt  }
0x82: {  	_ =	shalt  }
0x83: {  	_ =	shalt  }
0x84: {  	_ =	shalt  }
0x85: {  	_ =	shalt  }
0x86: {  	_ =	shalt  }
0x87: {  	_ =	shalt  }
.Lfunc_end0:
.L_simem_size_0:
called_computation_lowered:
.L_overlay_start_0:
0x88: {  	s2 =	sld [smem:$0x3FD9]  }
0x89: {  	s3 =	sld [smem:$0x3FFE];
	_ =	sdelay $0x1  }
0x8a: {  	s1 =	srdreg.scid  }
0x8b: {  	s0 =	sand.u32 $0x1, s1  }
0x8c: {  	s17 =	sshll.u32 s0, $0xA;
	s2 =	sadd.s32 s3, s2  }
0x8d: {  	s2 =	sadd.s32 s2, s17  }
0x8e: {  	[smem:$0x3FC6] =	sst s2  }
0x8f: {  	_ = 	snop  }
0x90: {  	s2 =	sld [smem:$0x3FC9]  }
0x91: {  	s18 =	sld [smem:$0x3FC8]  }
0x92: {  	s4 =	sld [smem:$0x3FD0];
	(tm) =	ssettm $0x1  }
0x93: {  	s5 =	sld [smem:$0x3FFB];
	_ =	sdelay $0x3  }
0x94: {  	_ =	strace s5  }
0x95: {  	s5 =	sld [smem:$0x3FFC];
	_ =	sdelay $0x3  }
0x96: {  	_ =	strace s5  }
0x97: {  	s5 =	sld [smem:$0x3FFD];
	_ =	sdelay $0x3  }
0x98: {  	_ =	strace s5  }
0x99: {  	_ =	strace $0x8FFFFFFF  }
0x9a: {  	s19 =	sld [smem:$0x3FDB];
	_ =	sdelay $0x1  }
0x9b: {  	s6 =	simm.s32 $_scs_section_size  }
0x9c: {  	s7 =	simm.s32 $_size__tile_overlayer_lowered;
	s8 =	simm.s32 $_tile_overlayer_lowered  }
0x9d: {  	s22 =	simm.s32 $0x1BFF;
	s21 =	sshll.u32 s8, $0x1;
	s5 =	sadd.s32 s6, s19  }
0x9e: {  	s9 =	simm.s32 $0x0;
	s20 =	sshll.u32 s7, $0x1;
	s7 =	sadd.s32 s21, s5  }
0x9f: {  	[timem:s9], [sflag:s22] =	dma.local [hbm:s7], s20  }
0xa0: {  	_ =	swait.ge [sflag:s22], s20  }
0xa1: {  	s6 =	ssub.s32 $0x0, s20;
	[sflag:s22] =	ssyncset.done $0x0  }
0xa2: {  	[sflag:s22] =	ssyncadd.s32 s6;
	_ =	sdelay $0x1  }
0xa3: {  	s23 =	simm.s32 $0x1B8B  }
0xa4: {  	_ =	swait.ge [sflag:s23], $0x1  }
0xa5: {  	[sflag:s23] =	ssyncset.done $0x0  }
0xa6: {  	s25 =	simm.s32 $0x1B8E;
	s24 =	sld [smem:$0x3FFE];
	[sflag:s23] =	ssyncadd.s32 $0xFFFFFFFF  }
0xa7: {  	s26 =	simm.s32 $execute0_lowered;
	[smem:$0x3FD2] =	sst s25  }
0xa8: {  	s7 =	sshll.u32 s26, $0x1;
	_ =	strace $0x80000046;
	[dreg:$0x1] =	wrdreg $0xFFFFFFFF  }
0xa9: {  	s28 =	simm.s32 $_size_execute0_lowered;
	s5 =	sadd.s32 s5, s7;
	[dreg:$0x0] =	wrdreg $0x0  }
0xaa: {  	s7 =	sshll.u32 s28, $0x1;
	[dreg:$0x2] =	wrdreg s5  }
0xab: {  	[dreg:$0x3] =	wrdreg s7  }
0xac: {  	[dreg:$0x4] =	wrdreg $0xC0  }
0xad: {  	_ =	task [dreg:s9], $0x5FFFF  }
0xae: {  	[dreg:$0x1] =	wrdreg $0xFFFFFFFF  }
0xaf: {  	[dreg:$0x0] =	wrdreg $0x60  }
0xb0: {  	[dreg:$0x2] =	wrdreg s2  }
0xb1: {  	[dreg:$0x3] =	wrdreg s18  }
0xb2: {  	[dreg:$0x4] =	wrdreg s4  }
0xb3: {  	[dreg:$0x5] =	wrdreg s24  }
0xb4: {  	[dreg:$0x6] =	wrdreg $0xC1800  }
0xb5: {  	[dreg:$0x7] =	wrdreg $0x9  }
0xb6: {  	_ =	task.clear_ibuf [dreg:s9], $0x8FFFF;
	_ =	strace $0x90000046  }
0xb7: {  	s29 =	simm.s32 $0x9;
	_ =	strace $0x80000048  }
0xb8: {  	_ =	swait.ge [sflag:s29], $0x1  }
0xb9: {  	[sflag:s29] =	ssyncadd.s32 $0xFFFFFFFF  }
0xba: {  	_ =	strace $0x90000048  }
0xbb: {  	_ =	sfence  }
0xbc: {  	s30 =	sld [smem:$0x0];
	_ =	sdelay $0x2  }
0xbd: {  	s31 =	sshll.u32 s1, $0xD;
	s1 =	sshrl.u32 s1, $0x2  }
0xbe: {  	s3 =	sand.u32 $0x4000, s31;
	s1 =	sadd.s32 s1, s30  }
0xbf: {  	s0 =	sor.u32 s3, s0;
	s1 =	sshll.u32 s1, $0x11  }
0xc0: {  	s0 =	sor.u32 s1, s0  }
0xc1: {  	s0 =	sadd.s32 $0x8F2B, s0  }
0xc2: {  	[sflag:s0] =	ssyncadd.remote.s32 $0x1  }
0xc3: {  	_ =	sfence.sel $0xFFFF  }
0xc4: {  	[dreg:$0x0] =	wrdreg $0xFFFFFFFF;
	(pc) =	sbr.abs _section_cstart, $3  }
0xc5: {  	[dreg:$0x1] =	wrdreg $0xFFFFFFFF  }
0xc6: {  	_ =	task.clear_ibuf [dreg:s9], $0x2FFFF;
	_ =	strace $0x9FFFFFFF  }
0xc7: {  	(tm) =	ssettm $0x7FFFFFFF  }
tec
execute0_lowered:
.L_overlay_start_1:
0x0: {  	(tag) =	ssettag $0x1  }
0x1: {  	s0 =	rddreg [dreg:$0x0]  }
0x2: {  	s1 =	rddreg [dreg:$0x1];
	s2 =	srdreg.scid  }
0x3: {  	s3 =	rddreg [dreg:$0x3];
	s13 =	stileid.u32  }
0x4: {  	s5 =	rddreg [dreg:$0x4];
	s7 =	smul.u32 $0x13C00, s13  }
0x5: {  	s6 =	simm.s32 $0x0;
	s28 =	simm.s32 $0x100;
	s17 =	smul.u32 $0x4E00, s13  }
0x6: {  	s29 =	simm.s32 $0x8180;
	s2 =	sand.u32 $0x1, s2;
	s21 =	smul.u32 $0x4E000, s13  }
0x7: {  	s30 =	simm.s32 $0x7;
	s31 =	simm.s32 $0x1;
	s4 =	smul.u32 $0x13C000, s2  }
0x8: {  	s8 =	sshll.u32 s13, $0x1;
	[smem:$0x7FF] =	sst s6;
	s20 =	smul.u32 $0x2700, s2  }
0x9: {  	s23 =	sor.u32 s2, s8;
	s24 =	ssub.s32 $0x2, s2;
	s2 =	smul.u32 $0x27000, s2  }
0xa: {  	s16 =	sshll.u32 s13, $0x6;
	p0 =	sgt.u32 s13, $0x1;
	s8 =	smul.u32 $0x2700, s23  }
0xb: {  	_ =	strace $0x80000047;
	s9 =	smul.u32 $0x9C0, s23;
	s10 =	sshrl.u32 s24, $0x1  }
0xc: {  	s11 =	smul.u32 $0x27000, s23;
	s4 =	sadd.s32 s7, s4;
	s7 =	sor.u32 $0x9C0, s23  }
0xd: {  	s22 =	sadd.s32 s20, s17;
	s4 =	sshrl.u32 s4, $0x3;
	s12 =	sor.u32 $0x80, s8  }
0xe: {  	s9 =	sadd.s32 s1, s9;
	s26 =	sadd.s32 s0, s11;
	s8 =	sadd.s32 $0x100, s8  }
0xf: {  	s19 =	sshll.u32 s7, $0x5;
	s18 =	sshll.u32 s7, $0xB;
	s23 =	sadd.s32 $0x280, s22  }
0x10: {  	s7 =	simm.s32 $0x3;
	s3 =	sadd.s32 s4, s3;
	[dreg:$0x6] =	wrdreg s9  }
0x11: {  	s4 =	ssub.s32 s24, s10;
	s25 =	sshrl.u32 s12, $0x2;
	[dreg:$0x7] =	wrdreg s26  }
0x12: {  	s11 =	sshll.u32 s12, $0x4;
	s12 =	smul.u32 $0x4F000, s13;
	s14 =	sshrl.u32 s8, $0x2  }
0x13: {  	s8 =	sshll.u32 s8, $0x4;
	s24 =	sadd.s32 $0x200, s22;
	s10 =	sadd.s32 s1, s25  }
0x14: {  	s9 =	sadd.s32 s0, s11;
	s8 =	sadd.s32 s0, s8;
	s3 =	sadd.s32 $0x600, s3  }
0x15: {  	s4 =	smax.u32 s4, $0x1;
	s25 =	sshrl.u32 s23, $0x2;
	[dreg:$0x8] =	wrdreg s10  }
0x16: {  	s26 =	sshrl.u32 s24, $0x2;
	s11 =	sadd.s32 $0x180, s22;
	[dreg:$0x9] =	wrdreg s9  }
0x17: {  	s24 =	simm.s32 $0x180;
	s9 =	sadd.s32 s1, s14;
	[dreg:$0xb] =	wrdreg s8  }
0x18: {  	s15 =	sshrl.u32 s12, $0x2;
	s14 =	sor.u32 $0x1C07, s16;
	[dreg:$0xd] =	wrdreg s3  }
0x19: {  	[dreg:$0xe] =	wrdreg s4;
	s12 =	sadd.s32 s26, s1;
	s26 =	simm.s32 $0x4180  }
.Ltmp0:
0x1a: {  	s4 =	simm.s32 $0x4;
	s3 =	simm.s32 $0x5;
	(pc) =	sbr.rel .LBB2_1-.Ltmp0, $4  }
0x1b: {  	[dreg:$0xa] =	wrdreg s9;
	s8 =	sadd.s32 s15, s5;
	s15 =	sadd.s32 s1, s19  }
0x1c: {  	s19 =	sadd.s32 s2, s21;
	s2 =	sadd.s32 s25, s1;
	s25 =	simm.s32 $0x80  }
0x1d: {  	s9 =	simm.s32 $0x0;
	[dreg:$0xc] =	wrdreg s8;
	s20 =	sadd.s32 s0, s19  }
0x1e: {  	[dreg:$0xf] =	wrdreg s2;
	s2 =	simm.s32 $0x2;
	s8 =	simm.s32 $0x6  }
.LBB2_9:
0x1f: {  	_ =	swait.ge [sflag:s7], $0x80  }
0x20: {  	[sflag:s7] =	ssyncset.done $0x0  }
0x21: {  	[sflag:s7] =	ssyncadd.s32 $0xFFFFFF80  }
0x22: {  	_ =	swait.ge [sflag:s8], $0x4000  }
0x23: {  	[sflag:s8] =	ssyncset.done $0x0  }
0x24: {  	[sflag:s8] =	ssyncadd.s32 $0xFFFFC000  }
0x25: {  	[spmem:s5] =	stream.indirect.scatter.add.f32 [tilespmem:s29], [sflag:$0x7], $0x80, s28, s25, $0xb8;
	[tilespmem:$0x1FD80] =	vst v63  }
0x26: {  	_ =	swait.ge [sflag:s30], $0x4000  }
0x27: {  	[sflag:s30] =	ssyncset.done $0x0  }
0x28: {  	s13 =	simm.s32 @!p0 $0x1;
	[sflag:s30] =	ssyncadd.s32 $0xFFFFC000  }
0x29: {  	_ =	swait.ge @!p0 [sflag:s13], $0x80  }
0x2a: {  	[sflag:s13] =	ssyncset.done @!p0 $0x0  }
0x2b: {  	[sflag:s13] =	ssyncadd.s32 @!p0 $0xFFFFFF80;
	s13 =	simm.s32 @!p0 $0x4  }
0x2c: {  	_ =	swait.ge @!p0 [sflag:s13], $0x4000  }
0x2d: {  	s16 =	simm.s32 @!p0 $0x0;
	[sflag:s13] =	ssyncset.done @!p0 $0x0  }
0x2e: {  	s17 =	simm.s32 @!p0 $0x180;
	[sflag:s13] =	ssyncadd.s32 @!p0 $0xFFFFC000;
	s13 =	simm.s32 @!p0 $0x80  }
0x2f: {  	[spmem:s5] =	stream.indirect.scatter.add.f32 @!p0 [tilespmem:s17], [sflag:$0x7], $0x80, s16, s13, $0xb8;
	[tilespmem:$0x1FD80] =	vst v63  }
0x30: {  	s13 =	simm.s32 @!p0 $0x7  }
0x31: {  	_ =	swait.ge @!p0 [sflag:s13], $0x4000  }
0x32: {  	[sflag:s13] =	ssyncset.done @!p0 $0x0  }
0x33: {  	[sflag:s13] =	ssyncadd.s32 @!p0 $0xFFFFC000  }
0x34: {  	[bflag:$0x0] =	sbarrier.arrive $0xFFFF  }
0x35: {  	s22 =	rddreg [dreg:$0xd]  }
0x36: {  	[hbm:s22], [sflag:s14] =	dma.local [spmem:s10], $0x2780  }
0x37: {  	_ =	swait.ge [sflag:s30], $0x2780  }
0x38: {  	s9 =	sadd.s32 $0x1, s9;
	s23 =	rddreg [dreg:$0xe]  }
0x39: {  	p1 =	sne.s32 s9, s23  }
.Ltmp1:
0x3a: {  	_ = 	snop;
	(pc) =	sbr.rel @!p1 .LBB2_10-.Ltmp1, $3  }
0x3b: {  	_ =	sdelay $0x1  }
0x3c: {  	[sflag:s30] =	ssyncset.done $0x0  }
0x3d: {  	[sflag:s30] =	ssyncadd.s32 $0xFFFFD880  }
.LBB2_1:
0x3e: {  	s10 =	rddreg [dreg:$0x6]  }
0x3f: {  	s13 =	rddreg [dreg:$0x7]  }
0x40: {  	s16 =	rddreg [dreg:$0x8]  }
0x41: {  	[tilespmem:s6], [sflag:$0x1] =	stream.linear.gather [hbm4b:s10+s6], $0x80, $0x38;
	[tilespmem:$0x1FD80] =	vst v63  }
0x42: {  	s17 =	rddreg [dreg:$0x9]  }
0x43: {  	[tilespmem:s24], [sflag:$0x4] =	stream.linear.gather [hbm4b:s13+s6], $0x4000, $0x38;
	[tilespmem:$0x1FD80] =	vst v63  }
0x44: {  	s21 =	rddreg [dreg:$0xa]  }
0x45: {  	[tilespmem:s25], [sflag:$0x2] =	stream.linear.gather [hbm4b:s16+s6], $0x80, $0x38;
	[tilespmem:$0x1FD80] =	vst v63  }
0x46: {  	s22 =	rddreg [dreg:$0xb]  }
0x47: {  	[tilespmem:s26], [sflag:$0x5] =	stream.linear.gather [hbm4b:s17+s6], $0x4000, $0x38;
	[tilespmem:$0x1FD80] =	vst v63  }
0x48: {  	s23 =	rddreg [dreg:$0xc]  }
0x49: {  	[tilespmem:s28], [sflag:$0x3] =	stream.linear.gather [hbm4b:s21+s6], $0x80, $0x38;
	[tilespmem:$0x1FD80] =	vst v63  }
0x4a: {  	s10 =	sshrl.u32 s23, $0x3;
	s13 =	rddreg [dreg:$0x2]  }
0x4b: {  	[tilespmem:s29], [sflag:$0x6] =	stream.linear.gather [hbm4b:s22+s6], $0x4000, $0x38;
	[tilespmem:$0x1FD80] =	vst v63  }
0x4c: {  	[spmem:s10], [sflag:s14] =	dma.local [hbm:s13], $0x2780  }
0x4d: {  	_ =	swait.ge [sflag:s30], $0x2780  }
0x4e: {  	[sflag:s30] =	ssyncset.done $0x0  }
0x4f: {  	[sflag:s30] =	ssyncadd.s32 $0xFFFFD880  }
0x50: {  	s23 =	smov.u32 s11;
	[bflag:$0x0] =	sbarrier.arrive $0xFFFF  }
0x51: {  	s17 =	simm.s32 $0x0;
	s22 =	smov.u32 s12;
	s21 =	rddreg [dreg:$0xf]  }
.LBB2_2:
0x52: {  	_ =	swait.ge [sflag:s31], $0x80  }
0x53: {  	[sflag:s31] =	ssyncset.done $0x0  }
0x54: {  	[sflag:s31] =	ssyncadd.s32 $0xFFFFFF80  }
0x55: {  	_ =	swait.ge [sflag:s4], $0x4000  }
0x56: {  	p1 =	seq.s32 s17, $0x25800;
	[sflag:s4] =	ssyncset.done $0x0  }
.Ltmp2:
0x57: {  	[sflag:s4] =	ssyncadd.s32 $0xFFFFC000;
	(pc) =	sbr.rel @!p1 .LBB2_3-.Ltmp2, $4  }
0x58: {  	[spmem:s5] =	stream.indirect.scatter.add.f32 [tilespmem:s24], [sflag:$0x7], $0x80, s6, s25, $0xb8;
	[tilespmem:$0x1FD80] =	vst v63  }
0x59: {  	_ =	swait.ge [sflag:s30], $0x4000  }
0x5a: {  	[sflag:s30] =	ssyncset.done $0x0  }
0x5b: {  	[sflag:s30] =	ssyncadd.s32 $0xFFFFC000  }
.Ltmp3:
0x5c: {  	(pc) =	sbr.rel @p0 .LBB2_7-.Ltmp3, $1  }
0x5d: {  	_ =	sdelay $0x3  }
.Ltmp4:
0x5e: {  	(pc) =	sbr.rel .LBB2_6-.Ltmp4, $3  }
0x5f: {  	_ =	sdelay $0x1  }
0x60: {  	[tilespmem:s6], [sflag:$0x1] =	stream.linear.gather [hbm4b:s15+s6], $0x80, $0x38;
	[tilespmem:$0x1FD80] =	vst v63  }
0x61: {  	s16 =	smov.u32 s18  }
.LBB2_3:
0x62: {  	s16 =	sshrl.u32 s23, $0x2  }
0x63: {  	s13 =	sadd.s32 s17, s19;
	s16 =	sadd.s32 s1, s16  }
0x64: {  	[tilespmem:s6], [sflag:$0x1] =	stream.linear.gather [hbm4b:s16+s6], $0x80, $0x38;
	[tilespmem:$0x1FD80] =	vst v63  }
0x65: {  	s16 =	sadd.s32 $0x1800, s13  }
.LBB2_6:
0x66: {  	s16 =	sadd.s32 s0, s16  }
0x67: {  	[tilespmem:s24], [sflag:$0x4] =	stream.linear.gather [hbm4b:s16+s6], $0x4000, $0x38;
	[tilespmem:$0x1FD80] =	vst v63  }
.LBB2_7:
0x68: {  	_ =	swait.ge [sflag:s2], $0x80  }
0x69: {  	[sflag:s2] =	ssyncset.done $0x0  }
0x6a: {  	[sflag:s2] =	ssyncadd.s32 $0xFFFFFF80  }
0x6b: {  	_ =	swait.ge [sflag:s3], $0x4000  }
0x6c: {  	[sflag:s3] =	ssyncset.done $0x0  }
.Ltmp5:
0x6d: {  	[sflag:s3] =	ssyncadd.s32 $0xFFFFC000;
	(pc) =	sbr.rel @p1 .LBB2_9-.Ltmp5, $4  }
0x6e: {  	[spmem:s5] =	stream.indirect.scatter.add.f32 [tilespmem:s26], [sflag:$0x7], $0x80, s25, s25, $0xb8;
	[tilespmem:$0x1FD80] =	vst v63  }
0x6f: {  	_ =	swait.ge [sflag:s30], $0x4000  }
0x70: {  	[sflag:s30] =	ssyncset.done $0x0  }
0x71: {  	[sflag:s30] =	ssyncadd.s32 $0xFFFFC000  }
0x72: {  	[tilespmem:s25], [sflag:$0x2] =	stream.linear.gather [hbm4b:s22+s6], $0x80, $0x38;
	[tilespmem:$0x1FD80] =	vst v63  }
0x73: {  	s16 =	sadd.s32 s17, s20  }
0x74: {  	s13 =	sadd.s32 $0x2000, s16  }
0x75: {  	[tilespmem:s26], [sflag:$0x5] =	stream.linear.gather [hbm4b:s13+s6], $0x4000, $0x38;
	[tilespmem:$0x1FD80] =	vst v63  }
0x76: {  	_ =	swait.ge [sflag:s7], $0x80  }
0x77: {  	[sflag:s7] =	ssyncset.done $0x0  }
0x78: {  	[sflag:s7] =	ssyncadd.s32 $0xFFFFFF80  }
0x79: {  	_ =	swait.ge [sflag:s8], $0x4000  }
0x7a: {  	[sflag:s8] =	ssyncset.done $0x0  }
0x7b: {  	[sflag:s8] =	ssyncadd.s32 $0xFFFFC000  }
0x7c: {  	[spmem:s5] =	stream.indirect.scatter.add.f32 [tilespmem:s29], [sflag:$0x7], $0x80, s28, s25, $0xb8;
	[tilespmem:$0x1FD80] =	vst v63  }
0x7d: {  	_ =	swait.ge [sflag:s30], $0x4000  }
.Ltmp6:
0x7e: {  	[sflag:s30] =	ssyncset.done $0x0;
	(pc) =	sbr.rel .LBB2_2-.Ltmp6, $4  }
0x7f: {  	s17 =	sadd.s32 $0x1800, s17;
	s22 =	sadd.s32 $0x60, s22;
	[sflag:s30] =	ssyncadd.s32 $0xFFFFC000  }
0x80: {  	[tilespmem:s28], [sflag:$0x3] =	stream.linear.gather [hbm4b:s21+s6], $0x80, $0x38;
	[tilespmem:$0x1FD80] =	vst v63  }
0x81: {  	s23 =	sadd.s32 $0x180, s23;
	s16 =	sadd.s32 $0x2800, s16;
	s21 =	sadd.s32 $0x60, s21  }
0x82: {  	[tilespmem:s29], [sflag:$0x6] =	stream.linear.gather [hbm4b:s16+s6], $0x4000, $0x38;
	[tilespmem:$0x1FD80] =	vst v63  }
.LBB2_10:
0x83: {  	_ =	sfence.sel $0x180000  }
0x84: {  	[bflag:$0x0] =	sbarrier.arrive $0xFFFF  }
0x85: {  	_ =	strace $0x90000047  }
0x86: {  	s0 =	stileid.u32;
	[bflag:$0x2] =	sbarrier.arrive $0xFFFF  }
0x87: {  	p0 =	sne.s32 s0, $0x0;
	s0 =	rddreg [dreg:$0x5]  }
0x88: {  	s0 =	sadd.s32 @!p0 $0x100000, s0  }
0x89: {  	[sflag:s0] =	ssyncadd.tile.s32 @!p0 $0x1;
	_ =	shalt  }
.Lfunc_end2:
_tile_overlayer_lowered:
.L_overlay_start_2:
0x8a: {  	(tag) =	ssettag $0x2  }
0x8b: {  	s0 =	rddreg [dreg:$0x0];
	s2 =	stileid.u32  }
0x8c: {  	s1 =	rddreg [dreg:$0x1];
	p0 =	sne.s32 s2, $0x0  }
0x8d: {  	s3 =	rddreg [dreg:$0x2];
	[bflag:$0x3] =	sbarrier.arrive $0xFFFF;
	s2 =	simm.s32 @!p0 $0x1C07  }
0x8e: {  	[timem:s3], [sflag:s2] =	dma.local @!p0 [hbm:s0], s1  }
0x8f: {  	s0 =	simm.s32 @!p0 $0x7  }
0x90: {  	_ =	swait.ge @!p0 [sflag:s0], s1  }
0x91: {  	s1 =	ssub.s32 @!p0 $0x0, s1;
	[sflag:s0] =	ssyncset.done @!p0 $0x0  }
0x92: {  	[sflag:s0] =	ssyncadd.s32 @!p0 s1  }
0x93: {  	[bflag:$0x3] =	sbarrier.arrive $0xFFFF  }
0x94: {  	_ =	shalt  }

</sc_bundles>
